<compile_context>
chip_gen: v7x
topology: tpu7x:2x2x1
jax: 0.10.2.dev20260603
libtpu: 0.0.44.dev20260713+nightly
codegen_flags: <defaults>
</compile_context>

<pallas_src>
import functools

import jax
import jax.numpy as jnp
from jax import lax
from jax.experimental import pallas as pl
from jax.experimental.pallas import tpu as pltpu
from jax.experimental.pallas import tpu_sc as plsc

N = 8 * 512 * 512
NW = 32
ROWS_W = 512 // 4
RCHUNK = 32
NCHUNK = ROWS_W // RCHUNK
KB = 1024
HR = 2 * KB // 128
L = 16
EPS = 1e-10
GRID = 2


@functools.cache
def _build_sc_hist():
    mesh = plsc.VectorSubcoreMesh(core_axis_name="c", subcore_axis_name="s")
    return functools.partial(
        pl.kernel,
        mesh=mesh,
        out_type=jax.ShapeDtypeStruct((NW * L, HR, 128), jnp.float32),
        scratch_types=[
            pltpu.VMEM((2 * RCHUNK, 512), jnp.float32),
            pltpu.VMEM((2 * RCHUNK, 512), jnp.int32),
            pltpu.VMEM((L, HR, 128), jnp.float32),
            pltpu.SemaphoreType.DMA((2,)),
        ],
        compiler_params=pltpu.CompilerParams(needs_layout_passes=False),
    )(_sc_hist_body)


def _sc_hist_body(pred_hbm, tgt_hbm, out_cnt, pbuf, tbuf, hcnt, sems):
    wid = lax.axis_index("c") * 16 + lax.axis_index("s")
    zeros = jnp.zeros((L,), jnp.float32)
    ones = jnp.ones((L,), jnp.float32)
    lane = lax.iota(jnp.int32, L)

    @plsc.parallel_loop(0, L * HR * 8, unroll=8)
    def _zero(i):
        hcnt[i >> 7, (i >> 3) & (HR - 1), pl.ds((i & 7) * L, L)] = zeros

    img = wid >> 2
    row0 = (wid & 3) * ROWS_W

    def _start(rbase, par):
        roff = par * RCHUNK
        pltpu.async_copy(
            pred_hbm.at[img, pl.ds(rbase, RCHUNK), :],
            pbuf.at[pl.ds(roff, RCHUNK), :], sems.at[par])
        pltpu.async_copy(
            tgt_hbm.at[img, pl.ds(rbase, RCHUNK), :],
            tbuf.at[pl.ds(roff, RCHUNK), :], sems.at[par])

    def _wait(rbase, par):
        roff = par * RCHUNK
        pltpu.make_async_copy(
            pred_hbm.at[img, pl.ds(rbase, RCHUNK), :],
            pbuf.at[pl.ds(roff, RCHUNK), :], sems.at[par]).wait()
        pltpu.make_async_copy(
            tgt_hbm.at[img, pl.ds(rbase, RCHUNK), :],
            tbuf.at[pl.ds(roff, RCHUNK), :], sems.at[par]).wait()

    _start(row0, 0)

    def _chunk(ci, carry):
        par = ci & 1
        rbase = row0 + ci * RCHUNK
        _wait(rbase, par)

        @pl.when(ci + 1 < NCHUNK)
        def _prefetch():
            _start(rbase + RCHUNK, 1 - par)

        roff = par * RCHUNK

        @plsc.parallel_loop(0, RCHUNK * 512 // L, unroll=8)
        def _step(i):
            r = roff + (i >> 5)
            c = (i & 31) * L
            vp = pbuf[r, pl.ds(c, L)]
            vt = tbuf[r, pl.ds(c, L)]
            b = jnp.minimum((vp * float(KB)).astype(jnp.int32), KB - 1)
            b = jnp.maximum(b, 0)
            key = ((KB - 1) - b) + (vt << 10)
            plsc.addupdate_scatter(hcnt, [lane, key >> 7, key & 127], ones)

        return carry

    lax.fori_loop(0, NCHUNK, _chunk, 0)
    pltpu.sync_copy(hcnt, out_cnt.at[pl.ds(wid * L, L)])


def _combine_body(cnt_ref, out_ref, acc_vmem):
    g = pl.program_id(0)
    csum = jnp.sum(cnt_ref[...], axis=0)

    @pl.when(g == 0)
    def _init():
        acc_vmem[...] = csum

    @pl.when(g > 0)
    def _acc():
        acc_vmem[...] += csum

    @pl.when(g == GRID - 1)
    def _final():
        nf = float(N)
        kbf = float(KB)
        c16 = acc_vmem[...]
        cntn = c16[0:8, :]
        cntp = c16[8:16, :]
        n_neg = jnp.sum(cntn)
        gts = nf - n_neg

        bidx = (lax.broadcasted_iota(jnp.int32, (8, 128), 0) * 128
                + lax.broadcasted_iota(jnp.int32, (8, 128), 1)
                ).astype(jnp.float32)
        pmid = (kbf - 0.5 - bidx) / kbf
        s_pos = jnp.sum(cntp * (1.0 - pmid))
        term1 = s_pos / (nf + EPS)

        iu0 = lax.broadcasted_iota(jnp.int32, (128, 128), 0)
        iu1 = lax.broadcasted_iota(jnp.int32, (128, 128), 1)
        upper = (iu0 <= iu1).astype(jnp.float32)
        im0 = lax.broadcasted_iota(jnp.int32, (8, 8), 0)
        im1 = lax.broadcasted_iota(jnp.int32, (8, 8), 1)
        strict_lower = (im0 > im1).astype(jnp.float32)
        ones128 = jnp.ones((128, 128), jnp.float32)
        incl = jnp.dot(cntn, upper, preferred_element_type=jnp.float32)
        rowtot_b = jnp.dot(cntn, ones128, preferred_element_type=jnp.float32)
        excl_rows = jnp.dot(strict_lower, rowtot_b,
                            preferred_element_type=jnp.float32)
        j_excl = excl_rows + incl - cntn

        a = gts + j_excl + EPS
        term2 = jnp.sum(gts * (cntn * (1.0 + pmid)) / (a * (a + cntn)))

        emax = jnp.max(jnp.where(cntn > 0.0, 1.0 + (kbf - bidx) / kbf, -1.0))
        out_ref[0, 0] = term1 + term2 + jnp.where(gts == 0.0, emax, 0.0)


_combine = pl.pallas_call(
    _combine_body,
    grid=(GRID,),
    in_specs=[
        pl.BlockSpec((NW * L // GRID, HR, 128), lambda i: (i, 0, 0)),
    ],
    out_shape=jax.ShapeDtypeStruct((1, 1), jnp.float32),
    out_specs=pl.BlockSpec(
        (1, 1), lambda i: (0, 0), memory_space=pltpu.SMEM),
    scratch_shapes=[
        pltpu.VMEM((HR, 128), jnp.float32),
    ],
)


def kernel(pred, target):
    cnt = _build_sc_hist()(pred, target)
    loss = _combine(cnt)
    return loss[0, 0]

# --- scband reference (transcript-rebuilt; emitter-appended) ---
"""Pipeline reference for scband-lovasz-loss-16329465659717 (READ-ONLY COPY).

The authoritative reference and input builder live on the scoring server;
editing this copy changes nothing except your own understanding.
"""

import jax, jax.numpy as jnp
import numpy as np


def setup_inputs(seed: int = 0) -> dict:
    key = jax.random.key(seed)
    k1, k2 = jax.random.split(key)
    pred = jax.random.uniform(k1, (8, 512, 512), dtype=jnp.float32)
    target = jax.random.randint(k2, (8, 512, 512), 0, 2).astype(jnp.int32)
    return {"pred": pred, "target": target}


def reference(pred, target):
    # pred_clamped = torch.clamp(pred, 0.0, 1.0)
    pred_clamped = jnp.clip(pred, 0.0, 1.0)
    probas = pred_clamped.reshape(-1)
    labels = target.reshape(-1)
    # lovasz_softmax_flat
    signs = 2.0 * labels.astype(jnp.float32) - 1.0
    errors = 1.0 - probas * signs
    # descending sort; perm is non-differentiable (int indices), matching torch perm.data
    perm = jnp.argsort(-errors)
    errors_sorted = errors[perm]
    gt_sorted = labels[perm]
    gts = gt_sorted.sum().astype(jnp.float32)
    intersection = gts - jnp.cumsum(gt_sorted.astype(jnp.float32), axis=0)
    union = gts + jnp.cumsum((1 - gt_sorted).astype(jnp.float32), axis=0)
    jaccard = 1.0 - intersection / (union + 1e-10)
    # jaccard[1:] = jaccard[1:] - jaccard[:-1]
    jaccard = jnp.concatenate([jaccard[:1], jaccard[1:] - jaccard[:-1]], axis=0)
    loss = jnp.dot(jax.nn.relu(errors_sorted), jaccard)
    return loss

if __name__ == "__main__":
    import jax
    _d = setup_inputs()
    print(jax.jit(kernel)(*tuple(_d.values())))

</pallas_src>

<mosaic_0001>
#map = affine_map<(d0, d1) -> (0, 0, 0)>
module attributes {stable_mosaic.version = 14 : i64} {
  func.func @_sc_hist_body(%arg0: i32, %arg1: i32, %arg2: memref<8x512x512xf32, #tpu.memory_space<hbm>>, %arg3: memref<8x512x512xi32, #tpu.memory_space<hbm>>, %arg4: memref<512x16x128xf32, #tpu.memory_space<hbm>>, %arg5: memref<64x512xf32, #tpu.memory_space<vmem>>, %arg6: memref<64x512xi32, #tpu.memory_space<vmem>>, %arg7: memref<16x16x128xf32, #tpu.memory_space<vmem>>, %arg8: memref<2x!tpu.dma_semaphore, #tpu.memory_space<semaphore_mem>>) attributes {dimension_semantics = [#tpu.dimension_semantics<core_parallel>, #tpu.dimension_semantics<subcore_parallel>], iteration_bounds = array<i64: 2, 16>, scalar_prefetch = 0 : i64, scratch_operands = 4 : i64, tpu.core_type = #tpu.core_type<sc_vector_subcore>, window_params = [{transform_indices = #map}, {transform_indices = #map}, {transform_indices = #map}]} {
    %mul3A = arith.constant 16 : i32
    %mul3A_0 = arith.muli %arg0, %mul3A : i32
    %add3A = arith.addi %mul3A_0, %arg1 : i32
    %broadcast_in_dim3A = arith.constant 0.000000e+00 : f32
    %broadcast_in_dim3A_1 = vector.broadcast %broadcast_in_dim3A : f32 to vector<16xf32>
    %broadcast_in_dim3A_2 = arith.constant 1.000000e+00 : f32
    %broadcast_in_dim3A_3 = vector.broadcast %broadcast_in_dim3A_2 : f32 to vector<16xf32>
    %iota3A = tpu.iota {dimensions = array<i32: 0>} : vector<16xi32>
    %parallel_loop3A = arith.constant 0 : i32
    %parallel_loop3A_4 = arith.constant 2048 : i32
    %parallel_loop3A_5 = arith.constant 1 : i32
    scf.for %parallel_loop3A_46 = %parallel_loop3A to %parallel_loop3A_4 step %parallel_loop3A_5  : i32 {
      %parallel_loop3A_47 = arith.constant 7 : i32
      %parallel_loop3A_48 = arith.shrsi %parallel_loop3A_46, %parallel_loop3A_47 : i32
      %parallel_loop3A_49 = arith.constant 3 : i32
      %parallel_loop3A_50 = arith.shrsi %parallel_loop3A_46, %parallel_loop3A_49 : i32
      %parallel_loop3A_51 = arith.constant 15 : i32
      %parallel_loop3A_52 = arith.andi %parallel_loop3A_50, %parallel_loop3A_51 : i32
      %parallel_loop3A_53 = arith.constant 7 : i32
      %parallel_loop3A_54 = arith.andi %parallel_loop3A_46, %parallel_loop3A_53 : i32
      %parallel_loop3A_55 = arith.constant 16 : i32
      %parallel_loop3A_56 = arith.muli %parallel_loop3A_54, %parallel_loop3A_55 : i32
      %parallel_loop3A_57 = arith.index_cast %parallel_loop3A_48 : i32 to index
      %parallel_loop3A_58 = arith.index_cast %parallel_loop3A_52 : i32 to index
      %parallel_loop3A_59 = arith.index_cast %parallel_loop3A_56 : i32 to index
      %parallel_loop3A_60 = tpu.vector_load %arg7[%parallel_loop3A_57, %parallel_loop3A_58, %parallel_loop3A_59] {strides = array<i32>} : memref<16x16x128xf32, #tpu.memory_space<vmem>>, vector<16xf32>,
      tpu.vector_store %arg7[%parallel_loop3A_57, %parallel_loop3A_58, %parallel_loop3A_59], %broadcast_in_dim3A_1 {strides = array<i32>} : memref<16x16x128xf32, #tpu.memory_space<vmem>>, vector<16xf32>,
    } {sc.loop_unroll_factor = 8 : i64, sc.parallel_access}
    %shift_right_arithmetic3A = arith.constant 2 : i32
    %shift_right_arithmetic3A_6 = arith.shrsi %add3A, %shift_right_arithmetic3A : i32
    %and3A = arith.constant 3 : i32
    %and3A_7 = arith.andi %add3A, %and3A : i32
    %mul3A_8 = arith.constant 128 : i32
    %mul3A_9 = arith.muli %and3A_7, %mul3A_8 : i32
    %dma_start3A = arith.constant 0 : i32
    %dma_start3A_10 = arith.constant 0 : i32
    %dma_start3A_11 = arith.constant 0 : i32
    %dma_start3A_12 = tpu.memref_slice %arg5[%dma_start3A_10, %dma_start3A_11] : memref<64x512xf32, #tpu.memory_space<vmem>> -> memref<32x512xf32, #tpu.memory_space<vmem>>
    %dma_start3A_13 = arith.constant 0 : i32
    %dma_start3A_14 = tpu.memref_slice %arg2[%shift_right_arithmetic3A_6, %mul3A_9, %dma_start3A_13] : memref<8x512x512xf32, #tpu.memory_space<hbm>> -> memref<1x32x512xf32, #tpu.memory_space<hbm>>
    %dma_start3A_15 = tpu.memref_squeeze %dma_start3A_14 : memref<1x32x512xf32, #tpu.memory_space<hbm>> -> memref<32x512xf32, #tpu.memory_space<hbm>>
    %dma_start3A_16 = tpu.memref_slice %arg8[%dma_start3A] : memref<2x!tpu.dma_semaphore, #tpu.memory_space<semaphore_mem>> -> memref<1x!tpu.dma_semaphore, #tpu.memory_space<semaphore_mem>>
    %dma_start3A_17 = tpu.memref_squeeze %dma_start3A_16 : memref<1x!tpu.dma_semaphore, #tpu.memory_space<semaphore_mem>> -> memref<!tpu.dma_semaphore, #tpu.memory_space<semaphore_mem>>
    %dma_start3A_18 = arith.constant 0 : i32
    %dma_start3A_19 = arith.constant 0 : i32
    %dma_start3A_20 = tpu.memref_slice %arg5[%dma_start3A_18, %dma_start3A_19] : memref<64x512xf32, #tpu.memory_space<vmem>> -> memref<32x512xf32, #tpu.memory_space<vmem>>
    %dma_start3A_21 = arith.constant 0 : i32
    %dma_start3A_22 = tpu.memref_slice %arg2[%shift_right_arithmetic3A_6, %mul3A_9, %dma_start3A_21] : memref<8x512x512xf32, #tpu.memory_space<hbm>> -> memref<1x32x512xf32, #tpu.memory_space<hbm>>
    %dma_start3A_23 = tpu.memref_squeeze %dma_start3A_22 : memref<1x32x512xf32, #tpu.memory_space<hbm>> -> memref<32x512xf32, #tpu.memory_space<hbm>>
    tpu.enqueue_dma source(%dma_start3A_23 : memref<32x512xf32, #tpu.memory_space<hbm>>) target(%dma_start3A_20 : memref<32x512xf32, #tpu.memory_space<vmem>>) target_semaphore(%dma_start3A_17 : memref<!tpu.dma_semaphore, #tpu.memory_space<semaphore_mem>>)
    %dma_start3A_24 = arith.constant 0 : i32
    %dma_start3A_25 = arith.constant 0 : i32
    %dma_start3A_26 = arith.constant 0 : i32
    %dma_start3A_27 = tpu.memref_slice %arg6[%dma_start3A_25, %dma_start3A_26] : memref<64x512xi32, #tpu.memory_space<vmem>> -> memref<32x512xi32, #tpu.memory_space<vmem>>
    %dma_start3A_28 = arith.constant 0 : i32
    %dma_start3A_29 = tpu.memref_slice %arg3[%shift_right_arithmetic3A_6, %mul3A_9, %dma_start3A_28] : memref<8x512x512xi32, #tpu.memory_space<hbm>> -> memref<1x32x512xi32, #tpu.memory_space<hbm>>
    %dma_start3A_30 = tpu.memref_squeeze %dma_start3A_29 : memref<1x32x512xi32, #tpu.memory_space<hbm>> -> memref<32x512xi32, #tpu.memory_space<hbm>>
    %dma_start3A_31 = tpu.memref_slice %arg8[%dma_start3A_24] : memref<2x!tpu.dma_semaphore, #tpu.memory_space<semaphore_mem>> -> memref<1x!tpu.dma_semaphore, #tpu.memory_space<semaphore_mem>>
    %dma_start3A_32 = tpu.memref_squeeze %dma_start3A_31 : memref<1x!tpu.dma_semaphore, #tpu.memory_space<semaphore_mem>> -> memref<!tpu.dma_semaphore, #tpu.memory_space<semaphore_mem>>
    %dma_start3A_33 = arith.constant 0 : i32
    %dma_start3A_34 = arith.constant 0 : i32
    %dma_start3A_35 = tpu.memref_slice %arg6[%dma_start3A_33, %dma_start3A_34] : memref<64x512xi32, #tpu.memory_space<vmem>> -> memref<32x512xi32, #tpu.memory_space<vmem>>
    %dma_start3A_36 = arith.constant 0 : i32
    %dma_start3A_37 = tpu.memref_slice %arg3[%shift_right_arithmetic3A_6, %mul3A_9, %dma_start3A_36] : memref<8x512x512xi32, #tpu.memory_space<hbm>> -> memref<1x32x512xi32, #tpu.memory_space<hbm>>
    %dma_start3A_38 = tpu.memref_squeeze %dma_start3A_37 : memref<1x32x512xi32, #tpu.memory_space<hbm>> -> memref<32x512xi32, #tpu.memory_space<hbm>>
    tpu.enqueue_dma source(%dma_start3A_38 : memref<32x512xi32, #tpu.memory_space<hbm>>) target(%dma_start3A_35 : memref<32x512xi32, #tpu.memory_space<vmem>>) target_semaphore(%dma_start3A_32 : memref<!tpu.dma_semaphore, #tpu.memory_space<semaphore_mem>>)
    %scan3A = arith.constant 0 : i32
    %scan3A_39 = arith.constant 0 : i32
    %scan3A_40 = arith.constant 4 : i32
    %scan3A_41 = arith.addi %scan3A_39, %scan3A_40 : i32
    %scan3A_42 = arith.constant 1 : i32
    scf.for %scan3A_46 = %scan3A_39 to %scan3A_41 step %scan3A_42  : i32 {
      %and3A_47 = arith.constant 1 : i32
      %and3A_48 = arith.andi %scan3A_46, %and3A_47 : i32
      %mul3A_49 = arith.constant 32 : i32
      %mul3A_50 = arith.muli %scan3A_46, %mul3A_49 : i32
      %add3A_51 = arith.addi %mul3A_9, %mul3A_50 : i32
      %mul3A_52 = arith.constant 32 : i32
      %mul3A_53 = arith.muli %and3A_48, %mul3A_52 : i32
      %dma_wait3A = arith.constant 0 : i32
      %dma_wait3A_54 = tpu.memref_slice %arg5[%mul3A_53, %dma_wait3A] : memref<64x512xf32, #tpu.memory_space<vmem>> -> memref<32x512xf32, #tpu.memory_space<vmem>>
      %dma_wait3A_55 = arith.constant 0 : i32
      %dma_wait3A_56 = tpu.memref_slice %arg2[%shift_right_arithmetic3A_6, %add3A_51, %dma_wait3A_55] : memref<8x512x512xf32, #tpu.memory_space<hbm>> -> memref<1x32x512xf32, #tpu.memory_space<hbm>>
      %dma_wait3A_57 = tpu.memref_squeeze %dma_wait3A_56 : memref<1x32x512xf32, #tpu.memory_space<hbm>> -> memref<32x512xf32, #tpu.memory_space<hbm>>
      %dma_wait3A_58 = tpu.memref_slice %arg8[%and3A_48] : memref<2x!tpu.dma_semaphore, #tpu.memory_space<semaphore_mem>> -> memref<1x!tpu.dma_semaphore, #tpu.memory_space<semaphore_mem>>
      %dma_wait3A_59 = tpu.memref_squeeze %dma_wait3A_58 : memref<1x!tpu.dma_semaphore, #tpu.memory_space<semaphore_mem>> -> memref<!tpu.dma_semaphore, #tpu.memory_space<semaphore_mem>>
      %dma_wait3A_60 = arith.constant 0 : i32
      %dma_wait3A_61 = tpu.memref_slice %arg5[%mul3A_53, %dma_wait3A_60] : memref<64x512xf32, #tpu.memory_space<vmem>> -> memref<32x512xf32, #tpu.memory_space<vmem>>
      %dma_wait3A_62 = arith.constant 0 : i32
      %dma_wait3A_63 = tpu.memref_slice %arg2[%shift_right_arithmetic3A_6, %add3A_51, %dma_wait3A_62] : memref<8x512x512xf32, #tpu.memory_space<hbm>> -> memref<1x32x512xf32, #tpu.memory_space<hbm>>
      %dma_wait3A_64 = tpu.memref_squeeze %dma_wait3A_63 : memref<1x32x512xf32, #tpu.memory_space<hbm>> -> memref<32x512xf32, #tpu.memory_space<hbm>>
      tpu.wait_dma2 semaphore(%dma_wait3A_59 : memref<!tpu.dma_semaphore, #tpu.memory_space<semaphore_mem>>) src(%dma_wait3A_64 : memref<32x512xf32, #tpu.memory_space<hbm>>) dst(%dma_wait3A_61 : memref<32x512xf32, #tpu.memory_space<vmem>>)
      %dma_wait3A_65 = arith.constant 0 : i32
      %dma_wait3A_66 = tpu.memref_slice %arg6[%mul3A_53, %dma_wait3A_65] : memref<64x512xi32, #tpu.memory_space<vmem>> -> memref<32x512xi32, #tpu.memory_space<vmem>>
      %dma_wait3A_67 = arith.constant 0 : i32
      %dma_wait3A_68 = tpu.memref_slice %arg3[%shift_right_arithmetic3A_6, %add3A_51, %dma_wait3A_67] : memref<8x512x512xi32, #tpu.memory_space<hbm>> -> memref<1x32x512xi32, #tpu.memory_space<hbm>>
      %dma_wait3A_69 = tpu.memref_squeeze %dma_wait3A_68 : memref<1x32x512xi32, #tpu.memory_space<hbm>> -> memref<32x512xi32, #tpu.memory_space<hbm>>
      %dma_wait3A_70 = tpu.memref_slice %arg8[%and3A_48] : memref<2x!tpu.dma_semaphore, #tpu.memory_space<semaphore_mem>> -> memref<1x!tpu.dma_semaphore, #tpu.memory_space<semaphore_mem>>
      %dma_wait3A_71 = tpu.memref_squeeze %dma_wait3A_70 : memref<1x!tpu.dma_semaphore, #tpu.memory_space<semaphore_mem>> -> memref<!tpu.dma_semaphore, #tpu.memory_space<semaphore_mem>>
      %dma_wait3A_72 = arith.constant 0 : i32
      %dma_wait3A_73 = tpu.memref_slice %arg6[%mul3A_53, %dma_wait3A_72] : memref<64x512xi32, #tpu.memory_space<vmem>> -> memref<32x512xi32, #tpu.memory_space<vmem>>
      %dma_wait3A_74 = arith.constant 0 : i32
      %dma_wait3A_75 = tpu.memref_slice %arg3[%shift_right_arithmetic3A_6, %add3A_51, %dma_wait3A_74] : memref<8x512x512xi32, #tpu.memory_space<hbm>> -> memref<1x32x512xi32, #tpu.memory_space<hbm>>
      %dma_wait3A_76 = tpu.memref_squeeze %dma_wait3A_75 : memref<1x32x512xi32, #tpu.memory_space<hbm>> -> memref<32x512xi32, #tpu.memory_space<hbm>>
      tpu.wait_dma2 semaphore(%dma_wait3A_71 : memref<!tpu.dma_semaphore, #tpu.memory_space<semaphore_mem>>) src(%dma_wait3A_76 : memref<32x512xi32, #tpu.memory_space<hbm>>) dst(%dma_wait3A_73 : memref<32x512xi32, #tpu.memory_space<vmem>>)
      %add3A_77 = arith.constant 1 : i32
      %add3A_78 = arith.addi %scan3A_46, %add3A_77 : i32
      %lt3A = arith.constant 4 : i32
      %lt3A_79 = arith.cmpi slt, %add3A_78, %lt3A : i32
      %convert_element_type3A = arith.extui %lt3A_79 : i1 to i32
      %cond3A = arith.constant 0 : i32
      %cond3A_80 = arith.cmpi ne, %convert_element_type3A, %cond3A : i32
      scf.if %cond3A_80 {
        %add3A_86 = arith.constant 32 : i32
        %add3A_87 = arith.addi %add3A_51, %add3A_86 : i32
        %sub3A = arith.constant 1 : i32
        %sub3A_88 = arith.subi %sub3A, %and3A_48 : i32
        %mul3A_89 = arith.constant 32 : i32
        %mul3A_90 = arith.muli %sub3A_88, %mul3A_89 : i32
        %dma_start3A_91 = arith.constant 0 : i32
        %dma_start3A_92 = tpu.memref_slice %arg5[%mul3A_90, %dma_start3A_91] : memref<64x512xf32, #tpu.memory_space<vmem>> -> memref<32x512xf32, #tpu.memory_space<vmem>>
        %dma_start3A_93 = arith.constant 0 : i32
        %dma_start3A_94 = tpu.memref_slice %arg2[%shift_right_arithmetic3A_6, %add3A_87, %dma_start3A_93] : memref<8x512x512xf32, #tpu.memory_space<hbm>> -> memref<1x32x512xf32, #tpu.memory_space<hbm>>
        %dma_start3A_95 = tpu.memref_squeeze %dma_start3A_94 : memref<1x32x512xf32, #tpu.memory_space<hbm>> -> memref<32x512xf32, #tpu.memory_space<hbm>>
        %dma_start3A_96 = tpu.memref_slice %arg8[%sub3A_88] : memref<2x!tpu.dma_semaphore, #tpu.memory_space<semaphore_mem>> -> memref<1x!tpu.dma_semaphore, #tpu.memory_space<semaphore_mem>>
        %dma_start3A_97 = tpu.memref_squeeze %dma_start3A_96 : memref<1x!tpu.dma_semaphore, #tpu.memory_space<semaphore_mem>> -> memref<!tpu.dma_semaphore, #tpu.memory_space<semaphore_mem>>
        %dma_start3A_98 = arith.constant 0 : i32
        %dma_start3A_99 = tpu.memref_slice %arg5[%mul3A_90, %dma_start3A_98] : memref<64x512xf32, #tpu.memory_space<vmem>> -> memref<32x512xf32, #tpu.memory_space<vmem>>
        %dma_start3A_100 = arith.constant 0 : i32
        %dma_start3A_101 = tpu.memref_slice %arg2[%shift_right_arithmetic3A_6, %add3A_87, %dma_start3A_100] : memref<8x512x512xf32, #tpu.memory_space<hbm>> -> memref<1x32x512xf32, #tpu.memory_space<hbm>>
        %dma_start3A_102 = tpu.memref_squeeze %dma_start3A_101 : memref<1x32x512xf32, #tpu.memory_space<hbm>> -> memref<32x512xf32, #tpu.memory_space<hbm>>
        tpu.enqueue_dma source(%dma_start3A_102 : memref<32x512xf32, #tpu.memory_space<hbm>>) target(%dma_start3A_99 : memref<32x512xf32, #tpu.memory_space<vmem>>) target_semaphore(%dma_start3A_97 : memref<!tpu.dma_semaphore, #tpu.memory_space<semaphore_mem>>)
        %dma_start3A_103 = arith.constant 0 : i32
        %dma_start3A_104 = tpu.memref_slice %arg6[%mul3A_90, %dma_start3A_103] : memref<64x512xi32, #tpu.memory_space<vmem>> -> memref<32x512xi32, #tpu.memory_space<vmem>>
        %dma_start3A_105 = arith.constant 0 : i32
        %dma_start3A_106 = tpu.memref_slice %arg3[%shift_right_arithmetic3A_6, %add3A_87, %dma_start3A_105] : memref<8x512x512xi32, #tpu.memory_space<hbm>> -> memref<1x32x512xi32, #tpu.memory_space<hbm>>
        %dma_start3A_107 = tpu.memref_squeeze %dma_start3A_106 : memref<1x32x512xi32, #tpu.memory_space<hbm>> -> memref<32x512xi32, #tpu.memory_space<hbm>>
        %dma_start3A_108 = tpu.memref_slice %arg8[%sub3A_88] : memref<2x!tpu.dma_semaphore, #tpu.memory_space<semaphore_mem>> -> memref<1x!tpu.dma_semaphore, #tpu.memory_space<semaphore_mem>>
        %dma_start3A_109 = tpu.memref_squeeze %dma_start3A_108 : memref<1x!tpu.dma_semaphore, #tpu.memory_space<semaphore_mem>> -> memref<!tpu.dma_semaphore, #tpu.memory_space<semaphore_mem>>
        %dma_start3A_110 = arith.constant 0 : i32
        %dma_start3A_111 = tpu.memref_slice %arg6[%mul3A_90, %dma_start3A_110] : memref<64x512xi32, #tpu.memory_space<vmem>> -> memref<32x512xi32, #tpu.memory_space<vmem>>
        %dma_start3A_112 = arith.constant 0 : i32
        %dma_start3A_113 = tpu.memref_slice %arg3[%shift_right_arithmetic3A_6, %add3A_87, %dma_start3A_112] : memref<8x512x512xi32, #tpu.memory_space<hbm>> -> memref<1x32x512xi32, #tpu.memory_space<hbm>>
        %dma_start3A_114 = tpu.memref_squeeze %dma_start3A_113 : memref<1x32x512xi32, #tpu.memory_space<hbm>> -> memref<32x512xi32, #tpu.memory_space<hbm>>
        tpu.enqueue_dma source(%dma_start3A_114 : memref<32x512xi32, #tpu.memory_space<hbm>>) target(%dma_start3A_111 : memref<32x512xi32, #tpu.memory_space<vmem>>) target_semaphore(%dma_start3A_109 : memref<!tpu.dma_semaphore, #tpu.memory_space<semaphore_mem>>)
      } else {
      }
      %mul3A_81 = arith.constant 32 : i32
      %mul3A_82 = arith.muli %and3A_48, %mul3A_81 : i32
      %parallel_loop3A_83 = arith.constant 0 : i32
      %parallel_loop3A_84 = arith.constant 1024 : i32
      %parallel_loop3A_85 = arith.constant 1 : i32
      scf.for %parallel_loop3A_86 = %parallel_loop3A_83 to %parallel_loop3A_84 step %parallel_loop3A_85  : i32 {
        %parallel_loop3A_87 = arith.constant 5 : i32
        %parallel_loop3A_88 = arith.shrsi %parallel_loop3A_86, %parallel_loop3A_87 : i32
        %parallel_loop3A_89 = arith.addi %mul3A_82, %parallel_loop3A_88 : i32
        %parallel_loop3A_90 = arith.constant 31 : i32
        %parallel_loop3A_91 = arith.andi %parallel_loop3A_86, %parallel_loop3A_90 : i32
        %parallel_loop3A_92 = arith.constant 16 : i32
        %parallel_loop3A_93 = arith.muli %parallel_loop3A_91, %parallel_loop3A_92 : i32
        %parallel_loop3A_94 = arith.index_cast %parallel_loop3A_89 : i32 to index
        %parallel_loop3A_95 = arith.index_cast %parallel_loop3A_93 : i32 to index
        %parallel_loop3A_96 = tpu.vector_load %arg5[%parallel_loop3A_94, %parallel_loop3A_95] {strides = array<i32>} : memref<64x512xf32, #tpu.memory_space<vmem>>, vector<16xf32>,
        %parallel_loop3A_97 = arith.index_cast %parallel_loop3A_89 : i32 to index
        %parallel_loop3A_98 = arith.index_cast %parallel_loop3A_93 : i32 to index
        %parallel_loop3A_99 = tpu.vector_load %arg6[%parallel_loop3A_97, %parallel_loop3A_98] {strides = array<i32>} : memref<64x512xi32, #tpu.memory_space<vmem>>, vector<16xi32>,
        %parallel_loop3A_100 = arith.constant 1.024000e+03 : f32
        %parallel_loop3A_101 = vector.broadcast %parallel_loop3A_100 : f32 to vector<16xf32>
        %parallel_loop3A_102 = arith.mulf %parallel_loop3A_96, %parallel_loop3A_101 : vector<16xf32>
        %parallel_loop3A_103 = arith.fptosi %parallel_loop3A_102 : vector<16xf32> to vector<16xi32>
        %parallel_loop3A_104 = arith.constant 1023 : i32
        %parallel_loop3A_105 = vector.broadcast %parallel_loop3A_104 : i32 to vector<16xi32>
        %parallel_loop3A_106 = arith.minsi %parallel_loop3A_103, %parallel_loop3A_105 : vector<16xi32>
        %parallel_loop3A_107 = arith.constant 0 : i32
        %parallel_loop3A_108 = vector.broadcast %parallel_loop3A_107 : i32 to vector<16xi32>
        %parallel_loop3A_109 = arith.maxsi %parallel_loop3A_106, %parallel_loop3A_108 : vector<16xi32>
        %parallel_loop3A_110 = arith.constant 1023 : i32
        %parallel_loop3A_111 = vector.broadcast %parallel_loop3A_110 : i32 to vector<16xi32>
        %parallel_loop3A_112 = arith.subi %parallel_loop3A_111, %parallel_loop3A_109 : vector<16xi32>
        %parallel_loop3A_113 = arith.constant 10 : i32
        %parallel_loop3A_114 = vector.broadcast %parallel_loop3A_113 : i32 to vector<16xi32>
        %parallel_loop3A_115 = arith.shli %parallel_loop3A_99, %parallel_loop3A_114 : vector<16xi32>
        %parallel_loop3A_116 = arith.addi %parallel_loop3A_112, %parallel_loop3A_115 : vector<16xi32>
        %parallel_loop3A_117 = arith.constant 7 : i32
        %parallel_loop3A_118 = vector.broadcast %parallel_loop3A_117 : i32 to vector<16xi32>
        %parallel_loop3A_119 = arith.shrsi %parallel_loop3A_116, %parallel_loop3A_118 : vector<16xi32>
        %parallel_loop3A_120 = arith.constant 127 : i32
        %parallel_loop3A_121 = vector.broadcast %parallel_loop3A_120 : i32 to vector<16xi32>
        %parallel_loop3A_122 = arith.andi %parallel_loop3A_116, %parallel_loop3A_121 : vector<16xi32>
        tpu.vector_store_idx %arg7[%iota3A, %parallel_loop3A_119, %parallel_loop3A_122], %broadcast_in_dim3A_3 {add = true} : memref<16x16x128xf32, #tpu.memory_space<vmem>>[vector<16xi32>, vector<16xi32>, vector<16xi32>], vector<16xf32>,
      } {sc.loop_unroll_factor = 8 : i64, sc.parallel_access}
    }
    %scan3A_43 = arith.constant 4 : i32
    %mul3A_44 = arith.constant 16 : i32
    %mul3A_45 = arith.muli %add3A, %mul3A_44 : i32
    "tpu.region"() ({
      %run_scoped3A = tpu.sem_alloc : memref<!tpu.dma_semaphore, #tpu.memory_space<semaphore_mem>>
      %dma_start3A_46 = arith.constant 0 : i32
      %dma_start3A_47 = arith.constant 0 : i32
      %dma_start3A_48 = tpu.memref_slice %arg4[%mul3A_45, %dma_start3A_46, %dma_start3A_47] : memref<512x16x128xf32, #tpu.memory_space<hbm>> -> memref<16x16x128xf32, #tpu.memory_space<hbm>>
      %dma_start3A_49 = arith.constant 0 : i32
      %dma_start3A_50 = arith.constant 0 : i32
      %dma_start3A_51 = tpu.memref_slice %arg4[%mul3A_45, %dma_start3A_49, %dma_start3A_50] : memref<512x16x128xf32, #tpu.memory_space<hbm>> -> memref<16x16x128xf32, #tpu.memory_space<hbm>>
      tpu.enqueue_dma source(%arg7 : memref<16x16x128xf32, #tpu.memory_space<vmem>>) target(%dma_start3A_51 : memref<16x16x128xf32, #tpu.memory_space<hbm>>) target_semaphore(%run_scoped3A : memref<!tpu.dma_semaphore, #tpu.memory_space<semaphore_mem>>)
      %dma_wait3A = arith.constant 0 : i32
      %dma_wait3A_52 = arith.constant 0 : i32
      %dma_wait3A_53 = tpu.memref_slice %arg4[%mul3A_45, %dma_wait3A, %dma_wait3A_52] : memref<512x16x128xf32, #tpu.memory_space<hbm>> -> memref<16x16x128xf32, #tpu.memory_space<hbm>>
      %dma_wait3A_54 = arith.constant 0 : i32
      %dma_wait3A_55 = arith.constant 0 : i32
      %dma_wait3A_56 = tpu.memref_slice %arg4[%mul3A_45, %dma_wait3A_54, %dma_wait3A_55] : memref<512x16x128xf32, #tpu.memory_space<hbm>> -> memref<16x16x128xf32, #tpu.memory_space<hbm>>
      tpu.wait_dma2 semaphore(%run_scoped3A : memref<!tpu.dma_semaphore, #tpu.memory_space<semaphore_mem>>) src(%arg7 : memref<16x16x128xf32, #tpu.memory_space<vmem>>) dst(%dma_wait3A_56 : memref<16x16x128xf32, #tpu.memory_space<hbm>>)
      tpu.yield
    }) : () -> ()
    return
  }
}

module attributes {stable_mosaic.version = 14 : i64} {
  func.func @_combine_body(%arg0: i32, %arg1: memref<256x16x128xf32, #tpu.memory_space<vmem>>, %arg2: memref<1x1xf32, #tpu.memory_space<smem>>, %arg3: memref<16x128xf32, #tpu.memory_space<vmem>>) attributes {dimension_semantics = [#tpu.dimension_semantics<arbitrary>], iteration_bounds = array<i64: 2>, scalar_prefetch = 0 : i64, scratch_operands = 1 : i64, tpu.core_type = #tpu.core_type<tc>, window_params = [{transform_indices = @transform_0, window_bounds = array<i64: 256, 16, 128>}, {transform_indices = @transform_1, window_bounds = array<i64: 1, 1>}]} {
    %get3A = arith.constant 0 : index
    %get3A_0 = arith.constant 0 : index
    %get3A_1 = arith.constant 0 : index
    %get3A_2 = vector.load %arg1[%get3A, %get3A_0, %get3A_1] : memref<256x16x128xf32, #tpu.memory_space<vmem>>, vector<256x16x128xf32>
    %reduce_sum3A = arith.constant dense<0.000000e+00> : vector<16x128xf32>
    %reduce_sum3A_3 = vector.multi_reduction <add>, %get3A_2, %reduce_sum3A [0] : vector<256x16x128xf32> to vector<16x128xf32>
    %eq3A = arith.constant 0 : i32
    %eq3A_4 = arith.cmpi eq, %arg0, %eq3A : i32
    %convert_element_type3A = arith.extui %eq3A_4 : i1 to i32
    %cond3A = arith.constant 0 : i32
    %cond3A_5 = arith.cmpi ne, %convert_element_type3A, %cond3A : i32
    scf.if %cond3A_5 {
      %swap3A = arith.constant 0 : index
      %swap3A_15 = arith.constant 0 : index
      %swap3A_16 = vector.load %arg3[%swap3A, %swap3A_15] : memref<16x128xf32, #tpu.memory_space<vmem>>, vector<16x128xf32>
      tpu.vector_store %arg3[%swap3A, %swap3A_15], %reduce_sum3A_3 {strides = array<i32>} : memref<16x128xf32, #tpu.memory_space<vmem>>, vector<16x128xf32>,
    } else {
    }
    %gt3A = arith.constant 0 : i32
    %gt3A_6 = arith.cmpi sgt, %arg0, %gt3A : i32
    %convert_element_type3A_7 = arith.extui %gt3A_6 : i1 to i32
    %cond3A_8 = arith.constant 0 : i32
    %cond3A_9 = arith.cmpi ne, %convert_element_type3A_7, %cond3A_8 : i32
    scf.if %cond3A_9 {
      %get3A_15 = arith.constant 0 : index
      %get3A_16 = arith.constant 0 : index
      %get3A_17 = vector.load %arg3[%get3A_15, %get3A_16] : memref<16x128xf32, #tpu.memory_space<vmem>>, vector<16x128xf32>
      %add3A = arith.addf %get3A_17, %reduce_sum3A_3 : vector<16x128xf32>
      %swap3A = arith.constant 0 : index
      %swap3A_18 = arith.constant 0 : index
      %swap3A_19 = vector.load %arg3[%swap3A, %swap3A_18] : memref<16x128xf32, #tpu.memory_space<vmem>>, vector<16x128xf32>
      tpu.vector_store %arg3[%swap3A, %swap3A_18], %add3A {strides = array<i32>} : memref<16x128xf32, #tpu.memory_space<vmem>>, vector<16x128xf32>,
    } else {
    }
    %eq3A_10 = arith.constant 1 : i32
    %eq3A_11 = arith.cmpi eq, %arg0, %eq3A_10 : i32
    %convert_element_type3A_12 = arith.extui %eq3A_11 : i1 to i32
    %cond3A_13 = arith.constant 0 : i32
    %cond3A_14 = arith.cmpi ne, %convert_element_type3A_12, %cond3A_13 : i32
    scf.if %cond3A_14 {
      %get3A_15 = arith.constant 0 : index
      %get3A_16 = arith.constant 0 : index
      %get3A_17 = vector.load %arg3[%get3A_15, %get3A_16] : memref<16x128xf32, #tpu.memory_space<vmem>>, vector<16x128xf32>
      %slice3A = vector.extract_strided_slice %get3A_17 {offsets = [0, 0], sizes = [8, 128], strides = [1, 1]} : vector<16x128xf32> to vector<8x128xf32>
      %slice3A_18 = vector.extract_strided_slice %get3A_17 {offsets = [8, 0], sizes = [8, 128], strides = [1, 1]} : vector<16x128xf32> to vector<8x128xf32>
      %reduce_sum3A_19 = vector.shape_cast %slice3A : vector<8x128xf32> to vector<1x8x128xf32>
      %reduce_sum3A_20 = arith.constant dense<0.000000e+00> : vector<1xf32>
      %reduce_sum3A_21 = vector.multi_reduction <add>, %reduce_sum3A_19, %reduce_sum3A_20 [1, 2] : vector<1x8x128xf32> to vector<1xf32>
      %reduce_sum3A_22 = vector.shape_cast %reduce_sum3A_21 : vector<1xf32> to vector<1x1x1xf32>
      %reduce_sum3A_23 = vector.extract %reduce_sum3A_22[0, 0, 0] : f32 from vector<1x1x1xf32>
      %sub3A = arith.constant 0x4A000000 : f32
      %sub3A_24 = arith.subf %sub3A, %reduce_sum3A_23 : f32
      %iota3A = tpu.iota {dimensions = array<i32: 0>} : vector<8x128xi32>
      %mul3A = arith.constant 128 : i32
      %mul3A_25 = vector.broadcast %mul3A : i32 to vector<8x128xi32>
      %mul3A_26 = arith.muli %iota3A, %mul3A_25 : vector<8x128xi32>
      %iota3A_27 = tpu.iota {dimensions = array<i32: 1>} : vector<8x128xi32>
      %add3A = arith.addi %mul3A_26, %iota3A_27 : vector<8x128xi32>
      %convert_element_type3A_28 = arith.sitofp %add3A : vector<8x128xi32> to vector<8x128xf32>
      %sub3A_29 = arith.constant 1.023500e+03 : f32
      %sub3A_30 = vector.broadcast %sub3A_29 : f32 to vector<8x128xf32>
      %sub3A_31 = arith.subf %sub3A_30, %convert_element_type3A_28 : vector<8x128xf32>
      %div3A = arith.constant 1.024000e+03 : f32
      %div3A_32 = vector.broadcast %div3A : f32 to vector<8x128xf32>
      %div3A_33 = arith.divf %sub3A_31, %div3A_32 : vector<8x128xf32>
      %sub3A_34 = arith.constant 1.000000e+00 : f32
      %sub3A_35 = vector.broadcast %sub3A_34 : f32 to vector<8x128xf32>
      %sub3A_36 = arith.subf %sub3A_35, %div3A_33 : vector<8x128xf32>
      %mul3A_37 = arith.mulf %slice3A_18, %sub3A_36 : vector<8x128xf32>
      %reduce_sum3A_38 = vector.shape_cast %mul3A_37 : vector<8x128xf32> to vector<1x8x128xf32>
      %reduce_sum3A_39 = arith.constant dense<0.000000e+00> : vector<1xf32>
      %reduce_sum3A_40 = vector.multi_reduction <add>, %reduce_sum3A_38, %reduce_sum3A_39 [1, 2] : vector<1x8x128xf32> to vector<1xf32>
      %reduce_sum3A_41 = vector.shape_cast %reduce_sum3A_40 : vector<1xf32> to vector<1x1x1xf32>
      %reduce_sum3A_42 = vector.extract %reduce_sum3A_41[0, 0, 0] : f32 from vector<1x1x1xf32>
      %div3A_43 = arith.constant 0x4A000000 : f32
      %div3A_44 = arith.divf %reduce_sum3A_42, %div3A_43 : f32
      %iota3A_45 = tpu.iota {dimensions = array<i32: 0>} : vector<128x128xi32>
      %iota3A_46 = tpu.iota {dimensions = array<i32: 1>} : vector<128x128xi32>
      %le3A = arith.cmpi sle, %iota3A_45, %iota3A_46 : vector<128x128xi32>
      %convert_element_type3A_47 = arith.extui %le3A : vector<128x128xi1> to vector<128x128xi32>
      %convert_element_type3A_48 = arith.sitofp %convert_element_type3A_47 : vector<128x128xi32> to vector<128x128xf32>
      %iota3A_49 = tpu.iota {dimensions = array<i32: 0>} : vector<8x8xi32>
      %iota3A_50 = tpu.iota {dimensions = array<i32: 1>} : vector<8x8xi32>
      %gt3A_51 = arith.cmpi sgt, %iota3A_49, %iota3A_50 : vector<8x8xi32>
      %convert_element_type3A_52 = arith.extui %gt3A_51 : vector<8x8xi1> to vector<8x8xi32>
      %convert_element_type3A_53 = arith.sitofp %convert_element_type3A_52 : vector<8x8xi32> to vector<8x8xf32>
      %broadcast_in_dim3A = arith.constant 1.000000e+00 : f32
      %broadcast_in_dim3A_54 = vector.broadcast %broadcast_in_dim3A : f32 to vector<128x128xf32>
      %dot_general3A = arith.constant dense<0.000000e+00> : vector<8x128xf32>
      %dot_general3A_55 = tpu.matmul %slice3A, %convert_element_type3A_48, %dot_general3A {dimension_numbers = #tpu.dot_dimension_numbers<[1], [0], [0], [1], [0, 0, 1, 1], [], []>, transpose_lhs_hint = false} : vector<8x128xf32>, vector<128x128xf32>, vector<8x128xf32> -> vector<8x128xf32>
      %dot_general3A_56 = arith.constant dense<0.000000e+00> : vector<8x128xf32>
      %dot_general3A_57 = tpu.matmul %slice3A, %broadcast_in_dim3A_54, %dot_general3A_56 {dimension_numbers = #tpu.dot_dimension_numbers<[1], [0], [0], [1], [0, 0, 1, 1], [], []>, transpose_lhs_hint = false} : vector<8x128xf32>, vector<128x128xf32>, vector<8x128xf32> -> vector<8x128xf32>
      %dot_general3A_58 = arith.constant dense<0.000000e+00> : vector<8x128xf32>
      %dot_general3A_59 = tpu.matmul %convert_element_type3A_53, %dot_general3A_57, %dot_general3A_58 {dimension_numbers = #tpu.dot_dimension_numbers<[1], [0], [0], [1], [0, 0, 1, 1], [], []>, transpose_lhs_hint = false} : vector<8x8xf32>, vector<8x128xf32>, vector<8x128xf32> -> vector<8x128xf32>
      %add3A_60 = arith.addf %dot_general3A_59, %dot_general3A_55 : vector<8x128xf32>
      %sub3A_61 = arith.subf %add3A_60, %slice3A : vector<8x128xf32>
      %add3A_62 = vector.broadcast %sub3A_24 : f32 to vector<8x128xf32>
      %add3A_63 = arith.addf %add3A_62, %sub3A_61 : vector<8x128xf32>
      %add3A_64 = arith.constant 1.000000e-10 : f32
      %add3A_65 = vector.broadcast %add3A_64 : f32 to vector<8x128xf32>
      %add3A_66 = arith.addf %add3A_63, %add3A_65 : vector<8x128xf32>
      %add3A_67 = arith.constant 1.000000e+00 : f32
      %add3A_68 = vector.broadcast %add3A_67 : f32 to vector<8x128xf32>
      %add3A_69 = arith.addf %add3A_68, %div3A_33 : vector<8x128xf32>
      %mul3A_70 = arith.mulf %slice3A, %add3A_69 : vector<8x128xf32>
      %mul3A_71 = vector.broadcast %sub3A_24 : f32 to vector<8x128xf32>
      %mul3A_72 = arith.mulf %mul3A_71, %mul3A_70 : vector<8x128xf32>
      %add3A_73 = arith.addf %add3A_66, %slice3A : vector<8x128xf32>
      %mul3A_74 = arith.mulf %add3A_66, %add3A_73 : vector<8x128xf32>
      %div3A_75 = arith.divf %mul3A_72, %mul3A_74 : vector<8x128xf32>
      %reduce_sum3A_76 = vector.shape_cast %div3A_75 : vector<8x128xf32> to vector<1x8x128xf32>
      %reduce_sum3A_77 = arith.constant dense<0.000000e+00> : vector<1xf32>
      %reduce_sum3A_78 = vector.multi_reduction <add>, %reduce_sum3A_76, %reduce_sum3A_77 [1, 2] : vector<1x8x128xf32> to vector<1xf32>
      %reduce_sum3A_79 = vector.shape_cast %reduce_sum3A_78 : vector<1xf32> to vector<1x1x1xf32>
      %reduce_sum3A_80 = vector.extract %reduce_sum3A_79[0, 0, 0] : f32 from vector<1x1x1xf32>
      %gt3A_81 = arith.constant 0.000000e+00 : f32
      %gt3A_82 = vector.broadcast %gt3A_81 : f32 to vector<8x128xf32>
      %gt3A_83 = arith.cmpf ogt, %slice3A, %gt3A_82 : vector<8x128xf32>
      %sub3A_84 = arith.constant 1.024000e+03 : f32
      %sub3A_85 = vector.broadcast %sub3A_84 : f32 to vector<8x128xf32>
      %sub3A_86 = arith.subf %sub3A_85, %convert_element_type3A_28 : vector<8x128xf32>
      %div3A_87 = arith.constant 1.024000e+03 : f32
      %div3A_88 = vector.broadcast %div3A_87 : f32 to vector<8x128xf32>
      %div3A_89 = arith.divf %sub3A_86, %div3A_88 : vector<8x128xf32>
      %add3A_90 = arith.constant 1.000000e+00 : f32
      %add3A_91 = vector.broadcast %add3A_90 : f32 to vector<8x128xf32>
      %add3A_92 = arith.addf %add3A_91, %div3A_89 : vector<8x128xf32>
      %jit3A = arith.constant -1.000000e+00 : f32
      %broadcast_in_dim3A_93 = vector.broadcast %jit3A : f32 to vector<8x128xf32>
      %select_n3A = arith.select %gt3A_83, %add3A_92, %broadcast_in_dim3A_93 : vector<8x128xi1>, vector<8x128xf32>
      %reduce_max3A = vector.shape_cast %select_n3A : vector<8x128xf32> to vector<1x8x128xf32>
      %reduce_max3A_94 = arith.constant dense<0xFF800000> : vector<1xf32>
      %reduce_max3A_95 = vector.multi_reduction <maximumf>, %reduce_max3A, %reduce_max3A_94 [1, 2] : vector<1x8x128xf32> to vector<1xf32>
      %reduce_max3A_96 = vector.shape_cast %reduce_max3A_95 : vector<1xf32> to vector<1x1x1xf32>
      %reduce_max3A_97 = vector.extract %reduce_max3A_96[0, 0, 0] : f32 from vector<1x1x1xf32>
      %add3A_98 = arith.addf %div3A_44, %reduce_sum3A_80 : f32
      %eq3A_99 = arith.constant 0.000000e+00 : f32
      %eq3A_100 = arith.cmpf oeq, %sub3A_24, %eq3A_99 : f32
      %jit3A_101 = arith.constant 0.000000e+00 : f32
      %select_n3A_102 = arith.select %eq3A_100, %reduce_max3A_97, %jit3A_101 : f32
      %add3A_103 = arith.addf %add3A_98, %select_n3A_102 : f32
      %swap3A = arith.constant 0 : index
      %swap3A_104 = arith.constant 0 : index
      %swap3A_105 = memref.load %arg2[%swap3A, %swap3A_104] : memref<1x1xf32, #tpu.memory_space<smem>>
      memref.store %add3A_103, %arg2[%swap3A, %swap3A_104] : memref<1x1xf32, #tpu.memory_space<smem>>
    } else {
    }
    return
  }
  func.func @transform_0(%arg0: i32) -> (i32, i32, i32) {
    %c0_i32 = arith.constant 0 : i32
    %c0_i32_0 = arith.constant 0 : i32
    %c0_i32_1 = arith.constant 0 : i32
    return %arg0, %c0_i32, %c0_i32_0 : i32, i32, i32
  }
  func.func @transform_1(%arg0: i32) -> (i32, i32) {
    %c0_i32 = arith.constant 0 : i32
    %c0_i32_0 = arith.constant 0 : i32
    %c0_i32_1 = arith.constant 0 : i32
    return %c0_i32, %c0_i32_0 : i32, i32
  }
}

</mosaic_0001>

<sc_bundles>
// kernel: kernel.4.cloned.1.call-start
scs
__scs_entry_jumppad:
0x0: {  	(pc) =	sbr.rel $0x88, $3  }
0x1: {  	(tag) =	ssettag $0x0;
	lr =	simm.s32 $0x1  }
0x2: {  	[smem:$0x3F9F] =	sst lr;
	_ =	strace $0xD0000000  }
0x3: {  	_ = 	snop  }
0x4: {  	_ = 	snop  }
0x5: {  	_ = 	snop  }
0x6: {  	_ = 	snop  }
0x7: {  	_ = 	snop  }
__scs_overlays_trampoline_lowered:
0x8: {  	[smem:$0x3FAE] =	sst s0  }
0x9: {  	[smem:$0x3FAF] =	sst s1  }
0xa: {  	[smem:$0x3FB0] =	sst s2  }
0xb: {  	[smem:$0x3FB1] =	sst s3  }
0xc: {  	[smem:$0x3FB2] =	sst s4  }
0xd: {  	[smem:$0x3FB3] =	sst s5  }
0xe: {  	[smem:$0x3FB4] =	sst s6  }
0xf: {  	[smem:$0x3FB5] =	sst s7  }
0x10: {  	[smem:$0x3FB6] =	sst s8  }
0x11: {  	[smem:$0x3FB7] =	sst s9;
	s0 =	simm.s32 @!p0 $0x0  }
0x12: {  	s1 =	sld [smem:$0x3F9D];
	s0 =	simm.s32 @p0 $0x1  }
0x13: {  	[smem:$0x3FB8] =	sst s0;
	s0 =	simm.s32 @!p1 $0x0  }
0x14: {  	s2 =	sld [smem:$0x3F9C];
	s0 =	simm.s32 @p1 $0x1  }
0x15: {  	[smem:$0x3FB9] =	sst s0;
	s0 =	simm.s32 @!p2 $0x0  }
0x16: {  	s3 =	sld [smem:$0x3FDB];
	s0 =	simm.s32 @p2 $0x1  }
0x17: {  	s4 =	simm.s32 $0x1BF5;
	[smem:$0x3FBB] =	sst s0  }
0x18: {  	s0 =	sld [smem:$0x3F9E];
	_ =	swait.ge [sflag:s4], $0x0  }
0x19: {  	s7 =	sld [smem:$0x3F9F]  }
0x1a: {  	s8 =	sadd.s32 $0xFFFFE003, lr  }
0x1b: {  	s9 =	sadd.s32 $0xFFFFFEF7, lr;
	s5 =	simm.s32 $0xFFFFFFFF;
	p2 =	slt.u32 s8, $0xFFFFF086  }
0x1c: {  	p1 =	slt.u32 s9, $0xF7A;
	s5 =	simm.s32 @!p2 $0x0  }
0x1d: {  	s5 =	simm.s32 @p1 $0x1;
	p0 =	seq.s32 s7, s2  }
0x1e: {  	s7 =	smul.u32 @!p0 $0xF7A, s2;
	p2 =	seq.s32 @!p0 s5, $0x0  }
0x1f: {  	s9 =	smul.u32 $0xF7A, s1;
	s8 =	simm.s32 @!p0 $0x1BF5;
	p2 =	por !p2, p0  }
0x20: {  	[sflag:s8] =	ssyncset.s32 @!p0 $0xFFFFF086;
	s6 =	sadd.s32 @!p0 s3, s7;
	s7 =	simm.s32 @!p0 $0x108  }
0x21: {  	s3 =	sadd.s32 s3, s9;
	s6 =	sadd.s32 @!p0 $0x88, s6;
	s7 =	simm.s32 @p2 $0x1082  }
0x22: {  	[simem:s7], [sflag:s8] =	dma.local @!p0 [hbm:s6], $0xF7A  }
0x23: {  	s9 =	sor.u32 $0xD0000000, s2;
	s6 =	simm.s32 $0x108;
	_ =	swait.ge @!p0 [sflag:s8], $0x0  }
0x24: {  	s3 =	sadd.s32 $0x88, s3;
	s6 =	simm.s32 @!p1 $0x1082;
	[sflag:s4] =	ssyncset.s32 $0xFFFFF086  }
0x25: {  	[simem:s6], [sflag:s4] =	dma.local [hbm:s3], $0xF7A  }
0x26: {  	[smem:$0x3F9F] =	sst s1;
	(tag) =	ssettag s2;
	_ =	strace s9  }
0x27: {  	s1 =	sld [smem:$0x3FAF]  }
0x28: {  	s2 =	sld [smem:$0x3FB0]  }
0x29: {  	s4 =	sld [smem:$0x3FB2]  }
0x2a: {  	p0 =	seq.s32 s5, $0x0;
	s5 =	sld [smem:$0x3FB3]  }
0x2b: {  	s6 =	sld [smem:$0x3FB4]  }
0x2c: {  	s7 =	sld [smem:$0x3FB5]  }
0x2d: {  	s3 =	simm.s32 $0x108;
	s8 =	sld [smem:$0x3FB6]  }
0x2e: {  	s3 =	simm.s32 @!p0 $0x1082;
	s9 =	sld [smem:$0x3FB7]  }
0x2f: {  	lr =	sadd.s32 s0, s3;
	s0 =	sld [smem:$0x3FAE]  }
0x30: {  	s3 =	sld [smem:$0x3FB1]  }
0x31: {  	[smem:$0x3FBA] =	sst s10  }
0x32: {  	s10 =	sld [smem:$0x3FB8];
	_ =	sdelay $0x3  }
0x33: {  	p0 =	seq.s32 s10, $0x1;
	s10 =	sld [smem:$0x3FBA];
	_ =	sdelay $0x3  }
0x34: {  	[smem:$0x3FBA] =	sst s10  }
0x35: {  	s10 =	sld [smem:$0x3FB9];
	_ =	sdelay $0x3  }
0x36: {  	p1 =	seq.s32 s10, $0x1;
	s10 =	sld [smem:$0x3FBA];
	_ =	sdelay $0x3  }
0x37: {  	[smem:$0x3FBA] =	sst s10  }
0x38: {  	s10 =	sld [smem:$0x3FBB]  }
0x39: {  	_ = 	snop;
	(pc) =	sbr.ind lr, $3  }
0x3a: {  	_ = 	snop  }
0x3b: {  	_ = 	snop  }
0x3c: {  	p2 =	seq.s32 s10, $0x1;
	s10 =	sld [smem:$0x3FBA]  }
0x3d: {  	_ =	shalt  }
0x3e: {  	_ =	shalt  }
0x3f: {  	_ =	shalt  }
0x40: {  	_ =	shalt  }
0x41: {  	_ =	shalt  }
0x42: {  	_ =	shalt  }
0x43: {  	_ =	shalt  }
0x44: {  	_ =	shalt  }
0x45: {  	_ =	shalt  }
0x46: {  	_ =	shalt  }
0x47: {  	_ =	shalt  }
0x48: {  	_ =	shalt  }
0x49: {  	_ =	shalt  }
0x4a: {  	_ =	shalt  }
0x4b: {  	_ =	shalt  }
0x4c: {  	_ =	shalt  }
0x4d: {  	_ =	shalt  }
0x4e: {  	_ =	shalt  }
0x4f: {  	_ =	shalt  }
0x50: {  	_ =	shalt  }
0x51: {  	_ =	shalt  }
0x52: {  	_ =	shalt  }
0x53: {  	_ =	shalt  }
0x54: {  	_ =	shalt  }
0x55: {  	_ =	shalt  }
0x56: {  	_ =	shalt  }
0x57: {  	_ =	shalt  }
0x58: {  	_ =	shalt  }
0x59: {  	_ =	shalt  }
0x5a: {  	_ =	shalt  }
0x5b: {  	_ =	shalt  }
0x5c: {  	_ =	shalt  }
0x5d: {  	_ =	shalt  }
0x5e: {  	_ =	shalt  }
0x5f: {  	_ =	shalt  }
0x60: {  	_ =	shalt  }
0x61: {  	_ =	shalt  }
0x62: {  	_ =	shalt  }
0x63: {  	_ =	shalt  }
0x64: {  	_ =	shalt  }
0x65: {  	_ =	shalt  }
0x66: {  	_ =	shalt  }
0x67: {  	_ =	shalt  }
0x68: {  	_ =	shalt  }
0x69: {  	_ =	shalt  }
0x6a: {  	_ =	shalt  }
0x6b: {  	_ =	shalt  }
0x6c: {  	_ =	shalt  }
0x6d: {  	_ =	shalt  }
0x6e: {  	_ =	shalt  }
0x6f: {  	_ =	shalt  }
0x70: {  	_ =	shalt  }
0x71: {  	_ =	shalt  }
0x72: {  	_ =	shalt  }
0x73: {  	_ =	shalt  }
0x74: {  	_ =	shalt  }
0x75: {  	_ =	shalt  }
0x76: {  	_ =	shalt  }
0x77: {  	_ =	shalt  }
0x78: {  	_ =	shalt  }
0x79: {  	_ =	shalt  }
0x7a: {  	_ =	shalt  }
0x7b: {  	_ =	shalt  }
0x7c: {  	_ =	shalt  }
0x7d: {  	_ =	shalt  }
0x7e: {  	_ =	shalt  }
0x7f: {  	_ =	shalt  }
0x80: {  	_ =	shalt  }
0x81: {  	_ =	shalt  }
0x82: {  	_ =	shalt  }
0x83: {  	_ =	shalt  }
0x84: {  	_ =	shalt  }
0x85: {  	_ =	shalt  }
0x86: {  	_ =	shalt  }
0x87: {  	_ =	shalt  }
.Lfunc_end0:
.L_simem_size_0:
called_computation_lowered:
.L_overlay_start_0:
0x88: {  	s2 =	sld [smem:$0x3FD9]  }
0x89: {  	s3 =	sld [smem:$0x3FFE];
	_ =	sdelay $0x1  }
0x8a: {  	s1 =	srdreg.scid  }
0x8b: {  	s0 =	sand.u32 $0x1, s1  }
0x8c: {  	s17 =	sshll.u32 s0, $0xA;
	s2 =	sadd.s32 s3, s2  }
0x8d: {  	s2 =	sadd.s32 s2, s17  }
0x8e: {  	[smem:$0x3FC6] =	sst s2  }
0x8f: {  	_ = 	snop  }
0x90: {  	s2 =	sld [smem:$0x3FC9]  }
0x91: {  	s18 =	sld [smem:$0x3FC8];
	(tm) =	ssettm $0x1  }
0x92: {  	s4 =	sld [smem:$0x3FFB];
	_ =	sdelay $0x3  }
0x93: {  	_ =	strace s4  }
0x94: {  	s4 =	sld [smem:$0x3FFC];
	_ =	sdelay $0x3  }
0x95: {  	_ =	strace s4  }
0x96: {  	s4 =	sld [smem:$0x3FFD];
	_ =	sdelay $0x3  }
0x97: {  	_ =	strace s4  }
0x98: {  	_ =	strace $0x8FFFFFFF  }
0x99: {  	s19 =	sld [smem:$0x3FDB];
	_ =	sdelay $0x1  }
0x9a: {  	s5 =	simm.s32 $_scs_section_size  }
0x9b: {  	s6 =	simm.s32 $_size__tile_overlayer_lowered;
	s7 =	simm.s32 $_tile_overlayer_lowered  }
0x9c: {  	s22 =	simm.s32 $0x1BFF;
	s21 =	sshll.u32 s7, $0x1;
	s4 =	sadd.s32 s5, s19  }
0x9d: {  	s8 =	simm.s32 $0x0;
	s20 =	sshll.u32 s6, $0x1;
	s6 =	sadd.s32 s21, s4  }
0x9e: {  	[timem:s8], [sflag:s22] =	dma.local [hbm:s6], s20  }
0x9f: {  	_ =	swait.ge [sflag:s22], s20  }
0xa0: {  	s5 =	ssub.s32 $0x0, s20;
	[sflag:s22] =	ssyncset.done $0x0  }
0xa1: {  	[sflag:s22] =	ssyncadd.s32 s5;
	_ =	sdelay $0x1  }
0xa2: {  	s23 =	simm.s32 $0x1B8B  }
0xa3: {  	_ =	swait.ge [sflag:s23], $0x1  }
0xa4: {  	[sflag:s23] =	ssyncset.done $0x0  }
0xa5: {  	s25 =	simm.s32 $0x1B8E;
	s24 =	sld [smem:$0x3FFE];
	[sflag:s23] =	ssyncadd.s32 $0xFFFFFFFF  }
0xa6: {  	s26 =	simm.s32 $execute0_lowered;
	[smem:$0x3FD2] =	sst s25  }
0xa7: {  	s6 =	sshll.u32 s26, $0x1;
	_ =	strace $0x80000046;
	[dreg:$0x1] =	wrdreg $0xFFFFFFFF  }
0xa8: {  	s28 =	simm.s32 $_size_execute0_lowered;
	s4 =	sadd.s32 s4, s6;
	[dreg:$0x0] =	wrdreg $0x0  }
0xa9: {  	s6 =	sshll.u32 s28, $0x1;
	[dreg:$0x2] =	wrdreg s4  }
0xaa: {  	[dreg:$0x3] =	wrdreg s6  }
0xab: {  	[dreg:$0x4] =	wrdreg $0xC0  }
0xac: {  	_ =	task [dreg:s8], $0x5FFFF  }
0xad: {  	[dreg:$0x1] =	wrdreg $0xFFFFFFFF  }
0xae: {  	[dreg:$0x0] =	wrdreg $0x60  }
0xaf: {  	[dreg:$0x2] =	wrdreg s2  }
0xb0: {  	[dreg:$0x3] =	wrdreg s18  }
0xb1: {  	[dreg:$0x4] =	wrdreg s24  }
0xb2: {  	[dreg:$0x5] =	wrdreg $0x9  }
0xb3: {  	_ =	task.clear_ibuf [dreg:s8], $0x6FFFF;
	_ =	strace $0x90000046  }
0xb4: {  	s29 =	simm.s32 $0x9;
	_ =	strace $0x80000048  }
0xb5: {  	_ =	swait.ge [sflag:s29], $0x1  }
0xb6: {  	[sflag:s29] =	ssyncadd.s32 $0xFFFFFFFF  }
0xb7: {  	_ =	strace $0x90000048  }
0xb8: {  	_ =	sfence  }
0xb9: {  	s30 =	sld [smem:$0x0];
	_ =	sdelay $0x2  }
0xba: {  	s31 =	sshll.u32 s1, $0xD;
	s1 =	sshrl.u32 s1, $0x2  }
0xbb: {  	s3 =	sand.u32 $0x4000, s31;
	s1 =	sadd.s32 s1, s30  }
0xbc: {  	s0 =	sor.u32 s3, s0;
	s1 =	sshll.u32 s1, $0x11  }
0xbd: {  	s0 =	sor.u32 s1, s0  }
0xbe: {  	s0 =	sadd.s32 $0x8F2B, s0  }
0xbf: {  	[sflag:s0] =	ssyncadd.remote.s32 $0x1  }
0xc0: {  	_ =	sfence.sel $0xFFFF  }
0xc1: {  	[dreg:$0x0] =	wrdreg $0xFFFFFFFF;
	(pc) =	sbr.abs _section_cstart, $3  }
0xc2: {  	[dreg:$0x1] =	wrdreg $0xFFFFFFFF  }
0xc3: {  	_ =	task.clear_ibuf [dreg:s8], $0x2FFFF;
	_ =	strace $0x9FFFFFFF  }
0xc4: {  	(tm) =	ssettm $0x7FFFFFFF  }
0xc5: {  	_ =	shalt  }
tec
execute0_lowered:
.L_overlay_start_1:
0x0: {  	(tag) =	ssettag $0x1  }
0x1: {  	s1 =	rddreg [dreg:$0x0]  }
0x2: {  	s2 =	rddreg [dreg:$0x1]  }
0x3: {  	s5 =	rddreg [dreg:$0x2]  }
0x4: {  	s3 =	srdreg.scid;
	s0 =	rddreg [dreg:$0x3]  }
0x5: {  	s4 =	simm.s32 $0x0;
	s11 =	simm.s32 $0x10000;
	s12 =	simm.s32 $0x3  }
0x6: {  	s13 =	simm.s32 $0x0;
	s6 =	sand.u32 $0x1, s3;
	[smem:$0x7FF] =	sst s4  }
0x7: {  	s3 =	stileid.u32;
	s7 =	sshll.u32 s6, $0x4;
	_ =	strace $0x80000047  }
0x8: {  	s8 =	sshll.u32 s3, $0x10;
	s6 =	ssub.s32 $0x2, s6;
	s7 =	sor.u32 s3, s7  }
0x9: {  	s8 =	sand.u32 $0x30000, s8;
	s10 =	sshrl.u32 s6, $0x1;
	s9 =	sshll.u32 s7, $0x10  }
0xa: {  	s7 =	sshll.u32 s7, $0xC;
	s10 =	ssub.s32 s6, s10;
	s9 =	sand.u32 $0x1C0000, s9  }
0xb: {  	s30 =	sadd.s32 s7, s5;
	s8 =	sor.u32 s8, s9;
	s9 =	smax.u32 s10, $0x1  }
0xc: {  	v1 =	vlaneseq.u32;
	s10 =	simm.s32 $0x8000;
	s31 =	sshrl.u32 s8, $0x3;
	s7 =	sor.u32 $0x4000, s8  }
0xd: {  	v0 =	vimm.f32 $0.0e+00;
	v2 =	vimm.f32 $1.000000000e+00;
	v1 =	vmul.u32 $0x800, v1;
	s8 =	sadd.s32 $0x600, s30;
	s5 =	sadd.s32 s1, s31;
	s6 =	sadd.s32 s2, s31  }
.LBB2_1:
0xe: {  	s14 =	sand.u32 $0x7F80, s4  }
0xf: {  	[tilespmem:s14+$0x10070] =	vst v0  }
0x10: {  	[tilespmem:s14+$0x10000] =	vst v0  }
0x11: {  	[tilespmem:s14+$0x10010] =	vst v0  }
0x12: {  	[tilespmem:s14+$0x10020] =	vst v0  }
0x13: {  	[tilespmem:s14+$0x10030] =	vst v0  }
0x14: {  	[tilespmem:s14+$0x10040] =	vst v0  }
0x15: {  	s15 =	simm.s32 $0x0;
	s16 =	simm.s32 $0x80;
	[tilespmem:s14+$0x10050] =	vst v0  }
.LBB2_2:
0x16: {  	s15 =	sadd.s32 $0x8, s15;
	[tilespmem:s14+$0x10060] =	vst v0;
	s14 =	sand.u32 $0x7F80, s16  }
0x17: {  	[tilespmem:s14+$0x10070] =	vst v0;
	p0 =	slt.u32 s15, $0x7F8  }
0x18: {  	[tilespmem:s14+$0x10000] =	vst v0  }
.Ltmp0:
0x19: {  	[tilespmem:s14+$0x10010] =	vst v0;
	(pc) =	sbr.rel @p0 .LBB2_2-.Ltmp0, $4  }
0x1a: {  	[tilespmem:s14+$0x10020] =	vst v0  }
0x1b: {  	[tilespmem:s14+$0x10030] =	vst v0  }
0x1c: {  	[tilespmem:s14+$0x10040] =	vst v0  }
0x1d: {  	s16 =	sadd.s32 $0x80, s16;
	[tilespmem:s14+$0x10050] =	vst v0  }
0x1e: {  	[tilespmem:s14+$0x10060] =	vst v0;
	s14 =	simm.s32 $0x0  }
0x1f: {  	[tilespmem:s14], [sflag:$0x1] =	stream.linear.gather [hbm4b:s5+s14], $0x4000, $0x38;
	[tilespmem:$0x18000] =	vst v63  }
0x20: {  	s17 =	simm.s32 $0x0  }
0x21: {  	[tilespmem:s10], [sflag:$0x1] =	stream.linear.gather [hbm4b:s6+s14], $0x4000, $0x38;
	[tilespmem:$0x18000] =	vst v63  }
.LBB2_5:
0x22: {  	s16 =	sand.u32 $0x1, s17  }
0x23: {  	s18 =	sadd.s32 $0x1, s16  }
0x24: {  	p0 =	seq.s32 s17, $0x3;
	_ =	swait.ge [sflag:s18], $0x4000  }
0x25: {  	s15 =	sshll.u32 @!p0 s17, $0xE;
	[sflag:s18] =	ssyncset.done $0x0  }
0x26: {  	s19 =	sadd.s32 @!p0 s15, s7;
	[sflag:s18] =	ssyncadd.s32 $0xFFFFC000  }
0x27: {  	s16 =	sxor.u32 @!p0 $0x1, s16;
	s19 =	sshrl.u32 @!p0 s19, $0x3;
	_ =	swait.ge [sflag:s18], $0x4000  }
0x28: {  	s21 =	simm.s32 @!p0 $0x0;
	s20 =	sadd.s32 @!p0 s1, s19;
	[sflag:s18] =	ssyncset.done $0x0  }
0x29: {  	[sflag:s18] =	ssyncadd.s32 $0xFFFFC000;
	s18 =	sadd.s32 @!p0 $0x1, s16;
	s16 =	sshll.u32 @!p0 s16, $0xE  }
0x2a: {  	[tilespmem:s16], [sflag:s18] =	stream.linear.gather @!p0 [hbm4b:s20+s21], $0x4000, $0x38;
	[tilespmem:$0x18000] =	vst v63  }
0x2b: {  	s24 =	simm.s32 $0x0;
	s19 =	sadd.s32 @!p0 s2, s19;
	s16 =	sor.u32 @!p0 $0x8000, s16  }
0x2c: {  	[tilespmem:s16], [sflag:s18] =	stream.linear.gather @!p0 [hbm4b:s19+s21], $0x4000, $0x38;
	[tilespmem:$0x18000] =	vst v63  }
0x2d: {  	s25 =	simm.s32 $0x0;
	s15 =	simm.s32 @p0 $0xC000;
	s16 =	sand.u32 $0x7E00, s24  }
0x2e: {  	s26 =	sand.u32 $0xC00, s14;
	s18 =	sand.u32 $0x380, s25;
	s16 =	sadd.s32 s15, s16  }
0x2f: {  	s18 =	sor.u32 s26, s18;
	s16 =	sand.u32 $0x7000, s16  }
0x30: {  	s16 =	sor.u32 s16, s18  }
0x31: {  	v3 =	vld [tilespmem:s16+$0x70]  }
0x32: {  	v4 =	vld [tilespmem:s16+$0x0]  }
0x33: {  	v5 =	vld [tilespmem:s16+$0x10]  }
0x34: {  	v6 =	vld [tilespmem:s16+$0x20]  }
0x35: {  	v7 =	vld [tilespmem:s16+$0x30]  }
0x36: {  	v8 =	vld [tilespmem:s16+$0x40]  }
0x37: {  	v9 =	vld [tilespmem:s16+$0x50]  }
0x38: {  	v11 =	vld [tilespmem:s16+$0x60];
	_ =	sdelay $0x1  }
0x39: {  	v3 =	vmul.f32 $1.024000000e+03, v3;
	v4 =	vmul.f32 $1.024000000e+03, v4  }
0x3a: {  	v5 =	vmul.f32 $1.024000000e+03, v5;
	v6 =	vmul.f32 $1.024000000e+03, v6  }
0x3b: {  	v7 =	vmul.f32 $1.024000000e+03, v7;
	v8 =	vmul.f32 $1.024000000e+03, v8  }
0x3c: {  	v10 =	vld [tilespmem:s16+$0x8070];
	v9 =	vmul.f32 $1.024000000e+03, v9;
	v11 =	vmul.f32 $1.024000000e+03, v11  }
0x3d: {  	v12 =	vld [tilespmem:s16+$0x8010];
	v3 =	vtrunc.f32 v3;
	v4 =	vtrunc.f32 v4  }
0x3e: {  	v13 =	vld [tilespmem:s16+$0x8020];
	v5 =	vtrunc.f32 v5;
	v6 =	vtrunc.f32 v6  }
0x3f: {  	v7 =	vtrunc.f32 v7;
	v8 =	vtrunc.f32 v8  }
0x40: {  	v9 =	vtrunc.f32 v9;
	v3 =	vcvt.f32.s32 v3  }
0x41: {  	v10 =	vshll.u32 v10, $0xA;
	v4 =	vcvt.f32.s32 v4;
	v5 =	vcvt.f32.s32 v5  }
0x42: {  	v12 =	vshll.u32 v12, $0xA;
	v6 =	vcvt.f32.s32 v6;
	v7 =	vcvt.f32.s32 v7  }
0x43: {  	v13 =	vshll.u32 v13, $0xA;
	v8 =	vcvt.f32.s32 v8;
	v9 =	vcvt.f32.s32 v9  }
0x44: {  	v14 =	vld [tilespmem:s16+$0x8030];
	vm0 =	vgt.s32 v3, $0x0;
	vm1 =	vgt.s32 v5, $0x0;
	vm2 =	vgt.s32 v6, $0x0  }
0x45: {  	v15 =	vld [tilespmem:s16+$0x8040];
	vm3 =	vgt.s32 v7, $0x0;
	vm4 =	vgt.s32 v9, $0x0;
	v3 =	vnsel vm0, $0x0, v3  }
0x46: {  	v16 =	vld [tilespmem:s16+$0x8050];
	vm0 =	vgt.s32 v4, $0x0;
	v5 =	vnsel vm1, $0x0, v5;
	v3 =	vmin.u32 v3, $0x3FF  }
0x47: {  	s28 =	simm.s32 $0x80;
	v17 =	vld [tilespmem:s16+$0x8060];
	v6 =	vnsel vm2, $0x0, v6;
	v7 =	vnsel vm3, $0x0, v7;
	v3 =	vor.u32 v10, v3  }
0x48: {  	s30 =	simm.s32 $0x20;
	s29 =	sand.u32 $0x7E00, s28;
	v9 =	vnsel vm4, $0x0, v9;
	v10 =	vtrunc.f32 v11;
	v11 =	vld [tilespmem:s16+$0x8000];
	s16 =	simm.s32 $0x400;
	v3 =	vxor.u32 $0x3FF, v3  }
0x49: {  	s19 =	sand.u32 $0x380, s30;
	s18 =	sadd.s32 s15, s29;
	v4 =	vnsel vm0, $0x0, v4;
	vm0 =	vgt.s32 v8, $0x0;
	s31 =	sand.u32 $0xC00, s16;
	v3 =	vadd.s32 v1, v3  }
0x4a: {  	s18 =	sand.u32 $0x7000, s18;
	v5 =	vmin.u32 v5, $0x3FF;
	v6 =	vmin.u32 v6, $0x3FF;
	v7 =	vmin.u32 v7, $0x3FF;
	s19 =	sor.u32 s31, s19  }
0x4b: {  	v9 =	vmin.u32 v9, $0x3FF;
	v8 =	vnsel vm0, $0x0, v8;
	v4 =	vmin.u32 v4, $0x3FF;
	s18 =	sor.u32 s18, s19  }
0x4c: {  	v5 =	vor.u32 v12, v5;
	v6 =	vor.u32 v13, v6;
	v10 =	vcvt.f32.s32 v10;
	v12 =	vld [tilespmem:s18+$0x20]  }
0x4d: {  	v8 =	vmin.u32 v8, $0x3FF;
	v5 =	vxor.u32 $0x3FF, v5;
	v6 =	vxor.u32 $0x3FF, v6;
	v13 =	vld [tilespmem:s18+$0x30]  }
0x4e: {  	vm1 =	vgt.s32 v10, $0x0;
	v11 =	vshll.u32 v11, $0xA;
	[tilespmem:v3+s11+$0x0] =	vst.idx.add.f32.msk $0xffff, v2;
	v3 =	vshll.u32 v14, $0xA  }
0x4f: {  	v14 =	vshll.u32 v15, $0xA;
	v15 =	vshll.u32 v16, $0xA;
	v16 =	vshll.u32 v17, $0xA;
	v17 =	vld [tilespmem:s18+$0x70]  }
0x50: {  	v18 =	vadd.s32 v1, v6;
	v10 =	vnsel vm1, $0x0, v10;
	v4 =	vor.u32 v11, v4;
	v11 =	vld [tilespmem:s18+$0x0]  }
0x51: {  	v10 =	vmin.u32 v10, $0x3FF;
	v4 =	vxor.u32 $0x3FF, v4;
	v3 =	vor.u32 v3, v7  }
0x52: {  	v7 =	vor.u32 v14, v8;
	v8 =	vor.u32 v15, v9;
	v10 =	vor.u32 v16, v10  }
0x53: {  	v9 =	vld [tilespmem:s18+$0x10];
	v14 =	vadd.s32 v1, v4;
	v3 =	vxor.u32 $0x3FF, v3;
	v7 =	vxor.u32 $0x3FF, v7  }
0x54: {  	v16 =	vld [tilespmem:s18+$0x8070];
	v4 =	vxor.u32 $0x3FF, v8;
	v12 =	vmul.f32 $1.024000000e+03, v12;
	v15 =	vmul.f32 $1.024000000e+03, v17  }
0x55: {  	v8 =	vxor.u32 $0x3FF, v10;
	v10 =	vld [tilespmem:s18+$0x40];
	v13 =	vmul.f32 $1.024000000e+03, v13;
	v6 =	vmul.f32 $1.024000000e+03, v11  }
0x56: {  	v19 =	vadd.s32 v1, v3;
	v11 =	vld [tilespmem:s18+$0x50];
	v24 =	vtrunc.f32 v12;
	v3 =	vtrunc.f32 v15  }
0x57: {  	[tilespmem:v18+s11+$0x0] =	vst.idx.add.f32.msk $0xffff, v2;
	v4 =	vadd.s32 v1, v4;
	v13 =	vtrunc.f32 v13;
	v20 =	vcvt.f32.s32 v3  }
0x58: {  	v17 =	vadd.s32 v1, v5;
	v5 =	vadd.s32 v1, v7;
	v7 =	vld [tilespmem:s18+$0x8000];
	v24 =	vcvt.f32.s32 v24  }
0x59: {  	v13 =	vcvt.f32.s32 v13;
	v9 =	vmul.f32 $1.024000000e+03, v9;
	v15 =	vld [tilespmem:s18+$0x60];
	vm0 =	vgt.s32 v20, $0x0  }
0x5a: {  	v21 =	vtrunc.f32 v6;
	v6 =	vld [tilespmem:s18+$0x8010];
	v23 =	vmul.f32 $1.024000000e+03, v10;
	v10 =	vnsel vm0, $0x0, v20  }
0x5b: {  	v16 =	vshll.u32 v16, $0xA;
	[tilespmem:v14+s11+$0x0] =	vst.idx.add.f32.msk $0xffff, v2;
	v12 =	vmul.f32 $1.024000000e+03, v11;
	v11 =	vmin.u32 v10, $0x3FF  }
0x5c: {  	v21 =	vcvt.f32.s32 v21;
	v3 =	vadd.s32 v1, v8;
	v8 =	vld [tilespmem:s18+$0x8020];
	v16 =	vor.u32 v16, v11  }
0x5d: {  	vm4 =	vgt.s32 v24, $0x0;
	v22 =	vtrunc.f32 v9;
	v9 =	vld [tilespmem:s18+$0x8030];
	v16 =	vxor.u32 $0x3FF, v16  }
0x5e: {  	[tilespmem:v19+s11+$0x0] =	vst.idx.add.f32.msk $0xffff, v2;
	v22 =	vcvt.f32.s32 v22;
	v15 =	vmul.f32 $1.024000000e+03, v15;
	v26 =	vadd.s32 v1, v16  }
0x5f: {  	v18 =	vnsel vm4, $0x0, v24;
	[tilespmem:v17+s11+$0x0] =	vst.idx.add.f32.msk $0xffff, v2;
	v20 =	vtrunc.f32 v23;
	v63 =	vtrunc.f32 v12  }
0x60: {  	vm1 =	vgt.s32 v21, $0x0;
	v12 =	vld [tilespmem:s18+$0x8060];
	v25 =	vtrunc.f32 v15;
	v15 =	vcvt.f32.s32 v20  }
0x61: {  	vm3 =	vgt.s32 v22, $0x0;
	v10 =	vld [tilespmem:s18+$0x8040];
	v16 =	vcvt.f32.s32 v63;
	v14 =	vcvt.f32.s32 v25  }
0x62: {  	v17 =	vnsel vm1, $0x0, v21;
	vm0 =	vgt.s32 v13, $0x0;
	v19 =	vnsel vm3, $0x0, v22;
	v11 =	vld [tilespmem:s18+$0x8050]  }
0x63: {  	s17 =	sadd.s32 $0x1, s17;
	s18 =	simm.s32 $0x8;
	vm1 =	vgt.s32 v15, $0x0;
	vm2 =	vgt.s32 v16, $0x0;
	vm3 =	vgt.s32 v14, $0x0;
	[tilespmem:v26+s11+$0x0] =	vst.idx.add.f32.msk $0xffff, v2  }
.LBB2_6:
0x64: {  	s18 =	sadd.s32 $0x8, s18;
	v13 =	vnsel vm0, $0x0, v13;
	v15 =	vnsel vm1, $0x0, v15;
	v16 =	vnsel vm2, $0x0, v16;
	[tilespmem:v5+s11+$0x0] =	vst.idx.add.f32.msk $0xffff, v2  }
0x65: {  	v5 =	vmin.u32 v17, $0x3FF;
	v17 =	vmin.u32 v19, $0x3FF;
	v14 =	vnsel vm3, $0x0, v14;
	s19 =	sshll.u32 s18, $0x4;
	p0 =	slt.u32 s18, $0x3F8;
	[tilespmem:v4+s11+$0x0] =	vst.idx.add.f32.msk $0xffff, v2  }
0x66: {  	s16 =	sadd.s32 $0x400, s16;
	s20 =	sshll.u32 s18, $0x2;
	v4 =	vmin.u32 v18, $0x3FF;
	v13 =	vmin.u32 v13, $0x3FF;
	v15 =	vmin.u32 v15, $0x3FF;
	s19 =	sand.u32 $0x7E00, s19;
	[tilespmem:v3+s11+$0x0] =	vst.idx.add.f32.msk $0xffff, v2  }
0x67: {  	s21 =	sand.u32 $0xC00, s16;
	v14 =	vmin.u32 v14, $0x3FF;
	s20 =	sand.u32 $0x380, s20;
	v3 =	vshll.u32 v7, $0xA;
	v7 =	vmin.u32 v16, $0x3FF;
	s19 =	sadd.s32 s15, s19  }
0x68: {  	v6 =	vshll.u32 v6, $0xA;
	v8 =	vshll.u32 v8, $0xA;
	v9 =	vshll.u32 v9, $0xA;
	s20 =	sor.u32 s21, s20;
	s19 =	sand.u32 $0x7000, s19  }
0x69: {  	v10 =	vshll.u32 v10, $0xA;
	v11 =	vshll.u32 v11, $0xA;
	v12 =	vshll.u32 v12, $0xA;
	s19 =	sor.u32 s19, s20  }
0x6a: {  	v4 =	vor.u32 v8, v4;
	v3 =	vor.u32 v3, v5;
	v5 =	vor.u32 v6, v17;
	v16 =	vld [tilespmem:s19+$0x70]  }
0x6b: {  	v8 =	vor.u32 v9, v13;
	v9 =	vor.u32 v10, v15;
	v7 =	vor.u32 v11, v7;
	v6 =	vld [tilespmem:s19+$0x0]  }
0x6c: {  	v11 =	vor.u32 v12, v14;
	v3 =	vxor.u32 $0x3FF, v3;
	v5 =	vxor.u32 $0x3FF, v5;
	v10 =	vld [tilespmem:s19+$0x10]  }
0x6d: {  	v4 =	vxor.u32 $0x3FF, v4;
	v8 =	vxor.u32 $0x3FF, v8;
	v9 =	vxor.u32 $0x3FF, v9;
	v12 =	vld [tilespmem:s19+$0x20]  }
0x6e: {  	v14 =	vadd.s32 v1, v3;
	v3 =	vxor.u32 $0x3FF, v7;
	v7 =	vxor.u32 $0x3FF, v11;
	v13 =	vld [tilespmem:s19+$0x30]  }
0x6f: {  	v18 =	vadd.s32 v1, v4;
	v17 =	vadd.s32 v1, v5;
	v11 =	vld [tilespmem:s19+$0x40];
	v15 =	vmul.f32 $1.024000000e+03, v16  }
0x70: {  	v19 =	vadd.s32 v1, v8;
	v5 =	vadd.s32 v1, v9;
	v6 =	vmul.f32 $1.024000000e+03, v6;
	v16 =	vld [tilespmem:s19+$0x50]  }
0x71: {  	v4 =	vadd.s32 v1, v3;
	v8 =	vmul.f32 $1.024000000e+03, v10;
	v10 =	vld [tilespmem:s19+$0x8070];
	v9 =	vtrunc.f32 v15  }
0x72: {  	v3 =	vadd.s32 v1, v7;
	v12 =	vmul.f32 $1.024000000e+03, v12;
	v15 =	vld [tilespmem:s19+$0x60];
	v9 =	vcvt.f32.s32 v9  }
0x73: {  	v20 =	vtrunc.f32 v6;
	v7 =	vld [tilespmem:s19+$0x8000];
	v13 =	vmul.f32 $1.024000000e+03, v13  }
0x74: {  	v21 =	vtrunc.f32 v8;
	v6 =	vld [tilespmem:s19+$0x8010];
	v11 =	vmul.f32 $1.024000000e+03, v11;
	vm0 =	vgt.s32 v9, $0x0  }
0x75: {  	v22 =	vtrunc.f32 v12;
	v8 =	vld [tilespmem:s19+$0x8020];
	v12 =	vmul.f32 $1.024000000e+03, v16;
	v16 =	vnsel vm0, $0x0, v9  }
0x76: {  	v13 =	vtrunc.f32 v13;
	v9 =	vld [tilespmem:s19+$0x8030];
	v16 =	vmin.u32 v16, $0x3FF;
	v23 =	vshll.u32 v10, $0xA  }
0x77: {  	v24 =	vtrunc.f32 v11;
	v10 =	vld [tilespmem:s19+$0x8040];
	v15 =	vmul.f32 $1.024000000e+03, v15;
	v16 =	vor.u32 v23, v16  }
0x78: {  	v20 =	vcvt.f32.s32 v20;
	v23 =	vtrunc.f32 v12;
	v11 =	vld [tilespmem:s19+$0x8050];
	v16 =	vxor.u32 $0x3FF, v16  }
0x79: {  	v21 =	vcvt.f32.s32 v21;
	v12 =	vld [tilespmem:s19+$0x8060];
	v25 =	vtrunc.f32 v15;
	v26 =	vadd.s32 v1, v16  }
.Ltmp1:
0x7a: {  	vm1 =	vgt.s32 v20, $0x0;
	v22 =	vcvt.f32.s32 v22;
	v13 =	vcvt.f32.s32 v13;
	[tilespmem:v14+s11+$0x0] =	vst.idx.add.f32.msk $0xffff, v2;
	(pc) =	sbr.rel @p0 .LBB2_6-.Ltmp1, $4  }
0x7b: {  	vm3 =	vgt.s32 v21, $0x0;
	v15 =	vcvt.f32.s32 v24;
	v16 =	vcvt.f32.s32 v23;
	[tilespmem:v17+s11+$0x0] =	vst.idx.add.f32.msk $0xffff, v2  }
0x7c: {  	vm4 =	vgt.s32 v22, $0x0;
	vm0 =	vgt.s32 v13, $0x0;
	v14 =	vcvt.f32.s32 v25;
	[tilespmem:v18+s11+$0x0] =	vst.idx.add.f32.msk $0xffff, v2  }
0x7d: {  	v17 =	vnsel vm1, $0x0, v20;
	vm1 =	vgt.s32 v15, $0x0;
	vm2 =	vgt.s32 v16, $0x0;
	[tilespmem:v19+s11+$0x0] =	vst.idx.add.f32.msk $0xffff, v2  }
0x7e: {  	v18 =	vnsel vm4, $0x0, v22;
	v19 =	vnsel vm3, $0x0, v21;
	vm3 =	vgt.s32 v14, $0x0;
	[tilespmem:v26+s11+$0x0] =	vst.idx.add.f32.msk $0xffff, v2  }
0x7f: {  	v13 =	vnsel vm0, $0x0, v13;
	v15 =	vnsel vm1, $0x0, v15;
	v16 =	vnsel vm2, $0x0, v16  }
0x80: {  	v17 =	vmin.u32 v17, $0x3FF;
	v19 =	vmin.u32 v19, $0x3FF;
	v14 =	vnsel vm3, $0x0, v14  }
0x81: {  	v18 =	vmin.u32 v18, $0x3FF;
	v7 =	vshll.u32 v7, $0xA;
	v6 =	vshll.u32 v6, $0xA  }
0x82: {  	v8 =	vshll.u32 v8, $0xA;
	v9 =	vshll.u32 v9, $0xA;
	v10 =	vshll.u32 v10, $0xA  }
0x83: {  	v11 =	vshll.u32 v11, $0xA;
	v12 =	vshll.u32 v12, $0xA;
	v13 =	vmin.u32 v13, $0x3FF  }
0x84: {  	v15 =	vmin.u32 v15, $0x3FF;
	v16 =	vmin.u32 v16, $0x3FF;
	v7 =	vor.u32 v7, v17  }
0x85: {  	v14 =	vmin.u32 v14, $0x3FF;
	v6 =	vor.u32 v6, v19;
	v7 =	vxor.u32 $0x3FF, v7  }
0x86: {  	v8 =	vor.u32 v8, v18;
	v6 =	vxor.u32 $0x3FF, v6;
	v7 =	vadd.s32 v1, v7  }
0x87: {  	v9 =	vor.u32 v9, v13;
	v8 =	vxor.u32 $0x3FF, v8;
	v6 =	vadd.s32 v1, v6  }
0x88: {  	[tilespmem:v5+s11+$0x0] =	vst.idx.add.f32.msk $0xffff, v2;
	v62 =	vor.u32 v10, v15;
	v9 =	vxor.u32 $0x3FF, v9;
	v8 =	vadd.s32 v1, v8  }
0x89: {  	[tilespmem:v4+s11+$0x0] =	vst.idx.add.f32.msk $0xffff, v2;
	v63 =	vor.u32 v11, v16;
	v5 =	vxor.u32 $0x3FF, v62;
	v9 =	vadd.s32 v1, v9  }
0x8a: {  	[tilespmem:v3+s11+$0x0] =	vst.idx.add.f32.msk $0xffff, v2;
	v3 =	vor.u32 v12, v14;
	v4 =	vxor.u32 $0x3FF, v63;
	v5 =	vadd.s32 v1, v5  }
0x8b: {  	v3 =	vxor.u32 $0x3FF, v3;
	v4 =	vadd.s32 v1, v4;
	[tilespmem:v7+s11+$0x0] =	vst.idx.add.f32.msk $0xffff, v2  }
0x8c: {  	v3 =	vadd.s32 v1, v3;
	[tilespmem:v6+s11+$0x0] =	vst.idx.add.f32.msk $0xffff, v2  }
0x8d: {  	[tilespmem:v8+s11+$0x0] =	vst.idx.add.f32.msk $0xffff, v2  }
0x8e: {  	[tilespmem:v9+s11+$0x0] =	vst.idx.add.f32.msk $0xffff, v2  }
0x8f: {  	[tilespmem:v5+s11+$0x0] =	vst.idx.add.f32.msk $0xffff, v2  }
0x90: {  	[tilespmem:v4+s11+$0x0] =	vst.idx.add.f32.msk $0xffff, v2  }
0x91: {  	[tilespmem:v3+s11+$0x0] =	vst.idx.add.f32.msk $0xffff, v2  }
0x92: {  	p0 =	seq.s32 s17, $0x4  }
.Ltmp2:
0x93: {  	_ = 	snop;
	(pc) =	sbr.rel @!p0 .LBB2_5-.Ltmp2, $1  }
0x94: {  	_ =	sdelay $0x3  }
0x95: {  	s13 =	sadd.s32 $0x1, s13  }
0x96: {  	p0 =	sne.s32 s13, s9  }
.Ltmp3:
0x97: {  	_ = 	snop;
	(pc) =	sbr.rel @p0 .LBB2_1-.Ltmp3, $4  }
0x98: {  	[hbm4b:s8+s4] =	stream.linear.scatter [tilespmem:s11], [sflag:$0x3], $0x8000, $0x38;
	[tilespmem:$0x18000] =	vst v63  }
0x99: {  	_ =	swait.ge [sflag:s12], $0x8000  }
0x9a: {  	[sflag:s12] =	ssyncset.done $0x0  }
0x9b: {  	[sflag:s12] =	ssyncadd.s32 $0xFFFF8000  }
0x9c: {  	_ =	sfence.sel $0x180000  }
0x9d: {  	[bflag:$0x0] =	sbarrier.arrive $0xFFFF  }
0x9e: {  	p0 =	sne.s32 s3, $0x0;
	_ =	strace $0x90000047  }
0x9f: {  	s0 =	sadd.s32 @!p0 $0x100000, s0;
	[bflag:$0x2] =	sbarrier.arrive $0xFFFF  }
0xa0: {  	[sflag:s0] =	ssyncadd.tile.s32 @!p0 $0x1;
	_ =	shalt  }
.Lfunc_end2:
_tile_overlayer_lowered:
.L_overlay_start_2:
0xa1: {  	(tag) =	ssettag $0x2  }
0xa2: {  	s0 =	rddreg [dreg:$0x0];
	s2 =	stileid.u32  }
0xa3: {  	s1 =	rddreg [dreg:$0x1];
	p0 =	sne.s32 s2, $0x0  }
0xa4: {  	s3 =	rddreg [dreg:$0x2];
	[bflag:$0x3] =	sbarrier.arrive $0xFFFF;
	s2 =	simm.s32 @!p0 $0x1C03  }
0xa5: {  	[timem:s3], [sflag:s2] =	dma.local @!p0 [hbm:s0], s1  }
0xa6: {  	s0 =	simm.s32 @!p0 $0x3  }
0xa7: {  	_ =	swait.ge @!p0 [sflag:s0], s1  }
0xa8: {  	s1 =	ssub.s32 @!p0 $0x0, s1;
	[sflag:s0] =	ssyncset.done @!p0 $0x0  }
0xa9: {  	[sflag:s0] =	ssyncadd.s32 @!p0 s1  }
0xaa: {  	[bflag:$0x3] =	sbarrier.arrive $0xFFFF  }
0xab: {  	_ =	shalt  }

</sc_bundles>
